<compile_context>
chip_gen: v7x
topology: tpu7x:2x2x1
jax: 0.10.2.dev20260603
libtpu: 0.0.44.dev20260713+nightly
codegen_flags: <defaults>
</compile_context>

<pallas_src>
import jax
import jax.numpy as jnp
from jax.experimental import pallas as pl
from jax.experimental.pallas import tpu as pltpu
from jax.experimental.pallas import tpu_sc as plsc

_L = 16
_NB = 51
_PAD = 64


def _lower_bound(chunks, x):
    total = None
    for v in chunks:
        cnt = plsc.all_reduce_population_count(v < x)
        total = cnt if total is None else total + cnt
    return total


def _body(pred_hbm, bins_hbm, theta_hbm, out_hbm, pred_v, bins_v, theta_v, out_v, sem):
    c1 = pltpu.async_copy(pred_hbm, pred_v.at[pl.ds(0, 1)], sem)
    c2 = pltpu.async_copy(bins_hbm, bins_v.at[pl.ds(0, _NB)], sem)
    c3 = pltpu.async_copy(theta_hbm, theta_v.at[pl.ds(0, _NB + 1)], sem)
    c1.wait()
    c2.wait()

    tail = bins_v[pl.ds(48, _L)]
    tail = jnp.where(jax.lax.iota(jnp.int32, _L) < 3, tail, jnp.inf)
    chunks = [bins_v[pl.ds(0, _L)], bins_v[pl.ds(_L, _L)], bins_v[pl.ds(2 * _L, _L)], tail]

    p = jnp.broadcast_to(pred_v[...][0], (_L,))
    j = _lower_bound(chunks, p)
    c3.wait()
    binned = plsc.load_gather(bins_v, [jnp.minimum(j, _NB - 1)])
    adj = binned + plsc.load_gather(theta_v, [j])
    i = _lower_bound(chunks, adj)
    out_v[...] = plsc.load_gather(bins_v, [jnp.minimum(i, _NB - 1)])
    pltpu.sync_copy(out_v.at[pl.ds(0, 1)], out_hbm)


def kernel(prediction, bin_values, theta):
    f = pl.kernel(
        _body,
        mesh=plsc.VectorSubcoreMesh(
            core_axis_name="c", subcore_axis_name="s", num_cores=1, num_subcores=1
        ),
        out_type=jax.ShapeDtypeStruct((1,), jnp.float32),
        scratch_types=[
            pltpu.VMEM((_L,), jnp.float32),
            pltpu.VMEM((_PAD,), jnp.float32),
            pltpu.VMEM((_PAD,), jnp.float32),
            pltpu.VMEM((_L,), jnp.float32),
            pltpu.SemaphoreType.DMA,
        ],
        compiler_params=pltpu.CompilerParams(needs_layout_passes=False),
    )
    out = f(jnp.reshape(prediction, (1,)), bin_values, theta)
    return jnp.reshape(out, ())

# --- scband reference (transcript-rebuilt; emitter-appended) ---
"""Pipeline reference for scband-calibration-model-78297253806257 (READ-ONLY COPY).

The authoritative reference and input builder live on the scoring server;
editing this copy changes nothing except your own understanding.
"""

import jax, jax.numpy as jnp
import numpy as np

NUM_BINS = 51

def setup_inputs(seed: int = 0) -> dict:
    key = jax.random.key(seed)
    prediction = jax.random.uniform(key, (), dtype=jnp.float32)
    bin_values = jnp.asarray(np.linspace(0.0, 1.0, NUM_BINS), dtype=jnp.float32)
    theta = jnp.zeros((NUM_BINS + 1,), dtype=jnp.float32)
    return {"prediction": prediction, "bin_values": bin_values, "theta": theta}

def reference(prediction, bin_values, theta):
    # torch.bucketize(x, boundaries, right=False) == jnp.searchsorted(boundaries, x, side='left')
    n = bin_values.shape[0]
    j_t = jnp.searchsorted(bin_values, prediction, side='left')
    binned_prediction = bin_values[jnp.minimum(j_t, n - 1)]
    adjusted_prediction = binned_prediction + theta[j_t]
    i_t = jnp.searchsorted(bin_values, adjusted_prediction, side='left')
    adjusted_prediction = bin_values[jnp.minimum(i_t, n - 1)]
    return adjusted_prediction

if __name__ == "__main__":
    import jax
    _d = setup_inputs()
    print(jax.jit(kernel)(*tuple(_d.values())))

</pallas_src>

<mosaic_0001>
#map = affine_map<(d0, d1) -> (0)>
module attributes {stable_mosaic.version = 14 : i64} {
  func.func @_body(%arg0: i32, %arg1: i32, %arg2: memref<1xf32, #tpu.memory_space<hbm>>, %arg3: memref<51xf32, #tpu.memory_space<hbm>>, %arg4: memref<52xf32, #tpu.memory_space<hbm>>, %arg5: memref<1xf32, #tpu.memory_space<hbm>>, %arg6: memref<16xf32, #tpu.memory_space<vmem>>, %arg7: memref<64xf32, #tpu.memory_space<vmem>>, %arg8: memref<64xf32, #tpu.memory_space<vmem>>, %arg9: memref<16xf32, #tpu.memory_space<vmem>>, %arg10: memref<!tpu.dma_semaphore, #tpu.memory_space<semaphore_mem>>) attributes {dimension_semantics = [#tpu.dimension_semantics<core_parallel>, #tpu.dimension_semantics<subcore_parallel>], iteration_bounds = array<i64: 1, 1>, scalar_prefetch = 0 : i64, scratch_operands = 5 : i64, tpu.core_type = #tpu.core_type<sc_vector_subcore>, window_params = [{transform_indices = #map}, {transform_indices = #map}, {transform_indices = #map}, {transform_indices = #map}]} {
    %dma_start3A = arith.constant 0 : i32
    %dma_start3A_0 = tpu.memref_slice %arg6[%dma_start3A] : memref<16xf32, #tpu.memory_space<vmem>> -> memref<1xf32, #tpu.memory_space<vmem>>
    %dma_start3A_1 = arith.constant 0 : i32
    %dma_start3A_2 = tpu.memref_slice %arg6[%dma_start3A_1] : memref<16xf32, #tpu.memory_space<vmem>> -> memref<1xf32, #tpu.memory_space<vmem>>
    tpu.enqueue_dma source(%arg2 : memref<1xf32, #tpu.memory_space<hbm>>) target(%dma_start3A_2 : memref<1xf32, #tpu.memory_space<vmem>>) target_semaphore(%arg10 : memref<!tpu.dma_semaphore, #tpu.memory_space<semaphore_mem>>)
    %dma_start3A_3 = arith.constant 0 : i32
    %dma_start3A_4 = tpu.memref_slice %arg7[%dma_start3A_3] : memref<64xf32, #tpu.memory_space<vmem>> -> memref<51xf32, #tpu.memory_space<vmem>>
    %dma_start3A_5 = arith.constant 0 : i32
    %dma_start3A_6 = tpu.memref_slice %arg7[%dma_start3A_5] : memref<64xf32, #tpu.memory_space<vmem>> -> memref<51xf32, #tpu.memory_space<vmem>>
    tpu.enqueue_dma source(%arg3 : memref<51xf32, #tpu.memory_space<hbm>>) target(%dma_start3A_6 : memref<51xf32, #tpu.memory_space<vmem>>) target_semaphore(%arg10 : memref<!tpu.dma_semaphore, #tpu.memory_space<semaphore_mem>>)
    %dma_start3A_7 = arith.constant 0 : i32
    %dma_start3A_8 = tpu.memref_slice %arg8[%dma_start3A_7] : memref<64xf32, #tpu.memory_space<vmem>> -> memref<52xf32, #tpu.memory_space<vmem>>
    %dma_start3A_9 = arith.constant 0 : i32
    %dma_start3A_10 = tpu.memref_slice %arg8[%dma_start3A_9] : memref<64xf32, #tpu.memory_space<vmem>> -> memref<52xf32, #tpu.memory_space<vmem>>
    tpu.enqueue_dma source(%arg4 : memref<52xf32, #tpu.memory_space<hbm>>) target(%dma_start3A_10 : memref<52xf32, #tpu.memory_space<vmem>>) target_semaphore(%arg10 : memref<!tpu.dma_semaphore, #tpu.memory_space<semaphore_mem>>)
    %dma_wait3A = arith.constant 0 : i32
    %dma_wait3A_11 = tpu.memref_slice %arg6[%dma_wait3A] : memref<16xf32, #tpu.memory_space<vmem>> -> memref<1xf32, #tpu.memory_space<vmem>>
    %dma_wait3A_12 = arith.constant 0 : i32
    %dma_wait3A_13 = tpu.memref_slice %arg6[%dma_wait3A_12] : memref<16xf32, #tpu.memory_space<vmem>> -> memref<1xf32, #tpu.memory_space<vmem>>
    tpu.wait_dma2 semaphore(%arg10 : memref<!tpu.dma_semaphore, #tpu.memory_space<semaphore_mem>>) src(%arg2 : memref<1xf32, #tpu.memory_space<hbm>>) dst(%dma_wait3A_13 : memref<1xf32, #tpu.memory_space<vmem>>)
    %dma_wait3A_14 = arith.constant 0 : i32
    %dma_wait3A_15 = tpu.memref_slice %arg7[%dma_wait3A_14] : memref<64xf32, #tpu.memory_space<vmem>> -> memref<51xf32, #tpu.memory_space<vmem>>
    %dma_wait3A_16 = arith.constant 0 : i32
    %dma_wait3A_17 = tpu.memref_slice %arg7[%dma_wait3A_16] : memref<64xf32, #tpu.memory_space<vmem>> -> memref<51xf32, #tpu.memory_space<vmem>>
    tpu.wait_dma2 semaphore(%arg10 : memref<!tpu.dma_semaphore, #tpu.memory_space<semaphore_mem>>) src(%arg3 : memref<51xf32, #tpu.memory_space<hbm>>) dst(%dma_wait3A_17 : memref<51xf32, #tpu.memory_space<vmem>>)
    %get3A = arith.constant 48 : index
    %get3A_18 = tpu.vector_load %arg7[%get3A] {strides = array<i32>} : memref<64xf32, #tpu.memory_space<vmem>>, vector<16xf32>,
    %iota3A = tpu.iota {dimensions = array<i32: 0>} : vector<16xi32>
    %lt3A = arith.constant 3 : i32
    %lt3A_19 = vector.broadcast %lt3A : i32 to vector<16xi32>
    %lt3A_20 = arith.cmpi slt, %iota3A, %lt3A_19 : vector<16xi32>
    %jit3A = arith.constant 0x7F800000 : f32
    %broadcast_in_dim3A = vector.broadcast %jit3A : f32 to vector<16xf32>
    %select_n3A = arith.select %lt3A_20, %get3A_18, %broadcast_in_dim3A : vector<16xi1>, vector<16xf32>
    %get3A_21 = arith.constant 0 : index
    %get3A_22 = tpu.vector_load %arg7[%get3A_21] {strides = array<i32>} : memref<64xf32, #tpu.memory_space<vmem>>, vector<16xf32>,
    %get3A_23 = arith.constant 16 : index
    %get3A_24 = tpu.vector_load %arg7[%get3A_23] {strides = array<i32>} : memref<64xf32, #tpu.memory_space<vmem>>, vector<16xf32>,
    %get3A_25 = arith.constant 32 : index
    %get3A_26 = tpu.vector_load %arg7[%get3A_25] {strides = array<i32>} : memref<64xf32, #tpu.memory_space<vmem>>, vector<16xf32>,
    %get3A_27 = arith.constant 0 : index
    %get3A_28 = tpu.vector_load %arg6[%get3A_27] {strides = array<i32>} : memref<16xf32, #tpu.memory_space<vmem>>, vector<16xf32>,
    %slice3A = vector.extract_strided_slice %get3A_28 {offsets = [0], sizes = [1], strides = [1]} : vector<16xf32> to vector<1xf32>
    %squeeze3A = vector.extract %slice3A[0] : f32 from vector<1xf32>
    %broadcast_in_dim3A_29 = vector.broadcast %squeeze3A : f32 to vector<16xf32>
    %lt3A_30 = arith.cmpf olt, %get3A_22, %broadcast_in_dim3A_29 : vector<16xf32>
    %all_reduce_population_count3A = tpu.all_reduce %lt3A_30 {dim = 0 : i64, kind = #tpu.reduction_kind<sum>} : vector<16xi1> -> vector<16xi32>
    %lt3A_31 = arith.cmpf olt, %get3A_24, %broadcast_in_dim3A_29 : vector<16xf32>
    %all_reduce_population_count3A_32 = tpu.all_reduce %lt3A_31 {dim = 0 : i64, kind = #tpu.reduction_kind<sum>} : vector<16xi1> -> vector<16xi32>
    %add3A = arith.addi %all_reduce_population_count3A, %all_reduce_population_count3A_32 : vector<16xi32>
    %lt3A_33 = arith.cmpf olt, %get3A_26, %broadcast_in_dim3A_29 : vector<16xf32>
    %all_reduce_population_count3A_34 = tpu.all_reduce %lt3A_33 {dim = 0 : i64, kind = #tpu.reduction_kind<sum>} : vector<16xi1> -> vector<16xi32>
    %add3A_35 = arith.addi %add3A, %all_reduce_population_count3A_34 : vector<16xi32>
    %lt3A_36 = arith.cmpf olt, %select_n3A, %broadcast_in_dim3A_29 : vector<16xf32>
    %all_reduce_population_count3A_37 = tpu.all_reduce %lt3A_36 {dim = 0 : i64, kind = #tpu.reduction_kind<sum>} : vector<16xi1> -> vector<16xi32>
    %add3A_38 = arith.addi %add3A_35, %all_reduce_population_count3A_37 : vector<16xi32>
    %dma_wait3A_39 = arith.constant 0 : i32
    %dma_wait3A_40 = tpu.memref_slice %arg8[%dma_wait3A_39] : memref<64xf32, #tpu.memory_space<vmem>> -> memref<52xf32, #tpu.memory_space<vmem>>
    %dma_wait3A_41 = arith.constant 0 : i32
    %dma_wait3A_42 = tpu.memref_slice %arg8[%dma_wait3A_41] : memref<64xf32, #tpu.memory_space<vmem>> -> memref<52xf32, #tpu.memory_space<vmem>>
    tpu.wait_dma2 semaphore(%arg10 : memref<!tpu.dma_semaphore, #tpu.memory_space<semaphore_mem>>) src(%arg4 : memref<52xf32, #tpu.memory_space<hbm>>) dst(%dma_wait3A_42 : memref<52xf32, #tpu.memory_space<vmem>>)
    %min3A = arith.constant 50 : i32
    %min3A_43 = vector.broadcast %min3A : i32 to vector<16xi32>
    %min3A_44 = arith.minsi %add3A_38, %min3A_43 : vector<16xi32>
    %gather3A = tpu.vector_load_idx %arg7[%min3A_44] : memref<64xf32, #tpu.memory_space<vmem>>[vector<16xi32>], vector<16xf32>,
    %gather3A_45 = tpu.vector_load_idx %arg8[%add3A_38] : memref<64xf32, #tpu.memory_space<vmem>>[vector<16xi32>], vector<16xf32>,
    %add3A_46 = arith.addf %gather3A, %gather3A_45 : vector<16xf32>
    %lt3A_47 = arith.cmpf olt, %get3A_22, %add3A_46 : vector<16xf32>
    %all_reduce_population_count3A_48 = tpu.all_reduce %lt3A_47 {dim = 0 : i64, kind = #tpu.reduction_kind<sum>} : vector<16xi1> -> vector<16xi32>
    %lt3A_49 = arith.cmpf olt, %get3A_24, %add3A_46 : vector<16xf32>
    %all_reduce_population_count3A_50 = tpu.all_reduce %lt3A_49 {dim = 0 : i64, kind = #tpu.reduction_kind<sum>} : vector<16xi1> -> vector<16xi32>
    %add3A_51 = arith.addi %all_reduce_population_count3A_48, %all_reduce_population_count3A_50 : vector<16xi32>
    %lt3A_52 = arith.cmpf olt, %get3A_26, %add3A_46 : vector<16xf32>
    %all_reduce_population_count3A_53 = tpu.all_reduce %lt3A_52 {dim = 0 : i64, kind = #tpu.reduction_kind<sum>} : vector<16xi1> -> vector<16xi32>
    %add3A_54 = arith.addi %add3A_51, %all_reduce_population_count3A_53 : vector<16xi32>
    %lt3A_55 = arith.cmpf olt, %select_n3A, %add3A_46 : vector<16xf32>
    %all_reduce_population_count3A_56 = tpu.all_reduce %lt3A_55 {dim = 0 : i64, kind = #tpu.reduction_kind<sum>} : vector<16xi1> -> vector<16xi32>
    %add3A_57 = arith.addi %add3A_54, %all_reduce_population_count3A_56 : vector<16xi32>
    %min3A_58 = arith.constant 50 : i32
    %min3A_59 = vector.broadcast %min3A_58 : i32 to vector<16xi32>
    %min3A_60 = arith.minsi %add3A_57, %min3A_59 : vector<16xi32>
    %gather3A_61 = tpu.vector_load_idx %arg7[%min3A_60] : memref<64xf32, #tpu.memory_space<vmem>>[vector<16xi32>], vector<16xf32>,
    %swap3A = arith.constant 0 : index
    %swap3A_62 = tpu.vector_load %arg9[%swap3A] {strides = array<i32>} : memref<16xf32, #tpu.memory_space<vmem>>, vector<16xf32>,
    tpu.vector_store %arg9[%swap3A], %gather3A_61 {strides = array<i32>} : memref<16xf32, #tpu.memory_space<vmem>>, vector<16xf32>,
    "tpu.region"() ({
      %run_scoped3A = tpu.sem_alloc : memref<!tpu.dma_semaphore, #tpu.memory_space<semaphore_mem>>
      %dma_start3A_63 = arith.constant 0 : i32
      %dma_start3A_64 = tpu.memref_slice %arg9[%dma_start3A_63] : memref<16xf32, #tpu.memory_space<vmem>> -> memref<1xf32, #tpu.memory_space<vmem>>
      %dma_start3A_65 = arith.constant 0 : i32
      %dma_start3A_66 = tpu.memref_slice %arg9[%dma_start3A_65] : memref<16xf32, #tpu.memory_space<vmem>> -> memref<1xf32, #tpu.memory_space<vmem>>
      tpu.enqueue_dma source(%dma_start3A_66 : memref<1xf32, #tpu.memory_space<vmem>>) target(%arg5 : memref<1xf32, #tpu.memory_space<hbm>>) target_semaphore(%run_scoped3A : memref<!tpu.dma_semaphore, #tpu.memory_space<semaphore_mem>>)
      %dma_wait3A_67 = arith.constant 0 : i32
      %dma_wait3A_68 = tpu.memref_slice %arg9[%dma_wait3A_67] : memref<16xf32, #tpu.memory_space<vmem>> -> memref<1xf32, #tpu.memory_space<vmem>>
      %dma_wait3A_69 = arith.constant 0 : i32
      %dma_wait3A_70 = tpu.memref_slice %arg9[%dma_wait3A_69] : memref<16xf32, #tpu.memory_space<vmem>> -> memref<1xf32, #tpu.memory_space<vmem>>
      tpu.wait_dma2 semaphore(%run_scoped3A : memref<!tpu.dma_semaphore, #tpu.memory_space<semaphore_mem>>) src(%dma_wait3A_70 : memref<1xf32, #tpu.memory_space<vmem>>) dst(%arg5 : memref<1xf32, #tpu.memory_space<hbm>>)
      tpu.yield
    }) : () -> ()
    return
  }
}

</mosaic_0001>

<sc_bundles>
// kernel: kernel.3.cloned.1.call-start
scs
__scs_entry_jumppad:
0x0: {  	(pc) =	sbr.rel $0x88, $3  }
0x1: {  	(tag) =	ssettag $0x0;
	lr =	simm.s32 $0x1  }
0x2: {  	[smem:$0x3F9E] =	sst lr;
	_ =	strace $0xD0000000  }
0x3: {  	_ = 	snop  }
0x4: {  	_ = 	snop  }
0x5: {  	_ = 	snop  }
0x6: {  	_ = 	snop  }
0x7: {  	_ = 	snop  }
__scs_overlays_trampoline_lowered:
0x8: {  	[smem:$0x3FAD] =	sst s0  }
0x9: {  	[smem:$0x3FAE] =	sst s1  }
0xa: {  	[smem:$0x3FAF] =	sst s2  }
0xb: {  	[smem:$0x3FB0] =	sst s3  }
0xc: {  	[smem:$0x3FB1] =	sst s4  }
0xd: {  	[smem:$0x3FB2] =	sst s5  }
0xe: {  	[smem:$0x3FB3] =	sst s6  }
0xf: {  	[smem:$0x3FB4] =	sst s7  }
0x10: {  	[smem:$0x3FB5] =	sst s8  }
0x11: {  	[smem:$0x3FB6] =	sst s9;
	s0 =	simm.s32 @!p0 $0x0  }
0x12: {  	s1 =	sld [smem:$0x3F9C];
	s0 =	simm.s32 @p0 $0x1  }
0x13: {  	[smem:$0x3FB7] =	sst s0;
	s0 =	simm.s32 @!p1 $0x0  }
0x14: {  	s2 =	sld [smem:$0x3F9B];
	s0 =	simm.s32 @p1 $0x1  }
0x15: {  	[smem:$0x3FB8] =	sst s0;
	s0 =	simm.s32 @!p2 $0x0  }
0x16: {  	s3 =	sld [smem:$0x3FDB];
	s0 =	simm.s32 @p2 $0x1  }
0x17: {  	s4 =	simm.s32 $0x1BF5;
	[smem:$0x3FBA] =	sst s0  }
0x18: {  	s0 =	sld [smem:$0x3F9D];
	_ =	swait.ge [sflag:s4], $0x0  }
0x19: {  	s7 =	sld [smem:$0x3F9E]  }
0x1a: {  	s8 =	sadd.s32 $0xFFFFE003, lr  }
0x1b: {  	s9 =	sadd.s32 $0xFFFFFEF7, lr;
	s5 =	simm.s32 $0xFFFFFFFF;
	p2 =	slt.u32 s8, $0xFFFFF086  }
0x1c: {  	p1 =	slt.u32 s9, $0xF7A;
	s5 =	simm.s32 @!p2 $0x0  }
0x1d: {  	s5 =	simm.s32 @p1 $0x1;
	p0 =	seq.s32 s7, s2  }
0x1e: {  	s7 =	smul.u32 @!p0 $0xF7A, s2;
	p2 =	seq.s32 @!p0 s5, $0x0  }
0x1f: {  	s9 =	smul.u32 $0xF7A, s1;
	s8 =	simm.s32 @!p0 $0x1BF5;
	p2 =	por !p2, p0  }
0x20: {  	[sflag:s8] =	ssyncset.s32 @!p0 $0xFFFFF086;
	s6 =	sadd.s32 @!p0 s3, s7;
	s7 =	simm.s32 @!p0 $0x108  }
0x21: {  	s3 =	sadd.s32 s3, s9;
	s6 =	sadd.s32 @!p0 $0x88, s6;
	s7 =	simm.s32 @p2 $0x1082  }
0x22: {  	[simem:s7], [sflag:s8] =	dma.local @!p0 [hbm:s6], $0xF7A  }
0x23: {  	s9 =	sor.u32 $0xD0000000, s2;
	s6 =	simm.s32 $0x108;
	_ =	swait.ge @!p0 [sflag:s8], $0x0  }
0x24: {  	s3 =	sadd.s32 $0x88, s3;
	s6 =	simm.s32 @!p1 $0x1082;
	[sflag:s4] =	ssyncset.s32 $0xFFFFF086  }
0x25: {  	[simem:s6], [sflag:s4] =	dma.local [hbm:s3], $0xF7A  }
0x26: {  	[smem:$0x3F9E] =	sst s1;
	(tag) =	ssettag s2;
	_ =	strace s9  }
0x27: {  	s1 =	sld [smem:$0x3FAE]  }
0x28: {  	s2 =	sld [smem:$0x3FAF]  }
0x29: {  	s4 =	sld [smem:$0x3FB1]  }
0x2a: {  	p0 =	seq.s32 s5, $0x0;
	s5 =	sld [smem:$0x3FB2]  }
0x2b: {  	s6 =	sld [smem:$0x3FB3]  }
0x2c: {  	s7 =	sld [smem:$0x3FB4]  }
0x2d: {  	s3 =	simm.s32 $0x108;
	s8 =	sld [smem:$0x3FB5]  }
0x2e: {  	s3 =	simm.s32 @!p0 $0x1082;
	s9 =	sld [smem:$0x3FB6]  }
0x2f: {  	lr =	sadd.s32 s0, s3;
	s0 =	sld [smem:$0x3FAD]  }
0x30: {  	s3 =	sld [smem:$0x3FB0]  }
0x31: {  	[smem:$0x3FB9] =	sst s10  }
0x32: {  	s10 =	sld [smem:$0x3FB7];
	_ =	sdelay $0x3  }
0x33: {  	p0 =	seq.s32 s10, $0x1;
	s10 =	sld [smem:$0x3FB9];
	_ =	sdelay $0x3  }
0x34: {  	[smem:$0x3FB9] =	sst s10  }
0x35: {  	s10 =	sld [smem:$0x3FB8];
	_ =	sdelay $0x3  }
0x36: {  	p1 =	seq.s32 s10, $0x1;
	s10 =	sld [smem:$0x3FB9];
	_ =	sdelay $0x3  }
0x37: {  	[smem:$0x3FB9] =	sst s10  }
0x38: {  	s10 =	sld [smem:$0x3FBA]  }
0x39: {  	_ = 	snop;
	(pc) =	sbr.ind lr, $3  }
0x3a: {  	_ = 	snop  }
0x3b: {  	_ = 	snop  }
0x3c: {  	p2 =	seq.s32 s10, $0x1;
	s10 =	sld [smem:$0x3FB9]  }
0x3d: {  	_ =	shalt  }
0x3e: {  	_ =	shalt  }
0x3f: {  	_ =	shalt  }
0x40: {  	_ =	shalt  }
0x41: {  	_ =	shalt  }
0x42: {  	_ =	shalt  }
0x43: {  	_ =	shalt  }
0x44: {  	_ =	shalt  }
0x45: {  	_ =	shalt  }
0x46: {  	_ =	shalt  }
0x47: {  	_ =	shalt  }
0x48: {  	_ =	shalt  }
0x49: {  	_ =	shalt  }
0x4a: {  	_ =	shalt  }
0x4b: {  	_ =	shalt  }
0x4c: {  	_ =	shalt  }
0x4d: {  	_ =	shalt  }
0x4e: {  	_ =	shalt  }
0x4f: {  	_ =	shalt  }
0x50: {  	_ =	shalt  }
0x51: {  	_ =	shalt  }
0x52: {  	_ =	shalt  }
0x53: {  	_ =	shalt  }
0x54: {  	_ =	shalt  }
0x55: {  	_ =	shalt  }
0x56: {  	_ =	shalt  }
0x57: {  	_ =	shalt  }
0x58: {  	_ =	shalt  }
0x59: {  	_ =	shalt  }
0x5a: {  	_ =	shalt  }
0x5b: {  	_ =	shalt  }
0x5c: {  	_ =	shalt  }
0x5d: {  	_ =	shalt  }
0x5e: {  	_ =	shalt  }
0x5f: {  	_ =	shalt  }
0x60: {  	_ =	shalt  }
0x61: {  	_ =	shalt  }
0x62: {  	_ =	shalt  }
0x63: {  	_ =	shalt  }
0x64: {  	_ =	shalt  }
0x65: {  	_ =	shalt  }
0x66: {  	_ =	shalt  }
0x67: {  	_ =	shalt  }
0x68: {  	_ =	shalt  }
0x69: {  	_ =	shalt  }
0x6a: {  	_ =	shalt  }
0x6b: {  	_ =	shalt  }
0x6c: {  	_ =	shalt  }
0x6d: {  	_ =	shalt  }
0x6e: {  	_ =	shalt  }
0x6f: {  	_ =	shalt  }
0x70: {  	_ =	shalt  }
0x71: {  	_ =	shalt  }
0x72: {  	_ =	shalt  }
0x73: {  	_ =	shalt  }
0x74: {  	_ =	shalt  }
0x75: {  	_ =	shalt  }
0x76: {  	_ =	shalt  }
0x77: {  	_ =	shalt  }
0x78: {  	_ =	shalt  }
0x79: {  	_ =	shalt  }
0x7a: {  	_ =	shalt  }
0x7b: {  	_ =	shalt  }
0x7c: {  	_ =	shalt  }
0x7d: {  	_ =	shalt  }
0x7e: {  	_ =	shalt  }
0x7f: {  	_ =	shalt  }
0x80: {  	_ =	shalt  }
0x81: {  	_ =	shalt  }
0x82: {  	_ =	shalt  }
0x83: {  	_ =	shalt  }
0x84: {  	_ =	shalt  }
0x85: {  	_ =	shalt  }
0x86: {  	_ =	shalt  }
0x87: {  	_ =	shalt  }
.Lfunc_end0:
.L_simem_size_0:
called_computation_lowered:
.L_overlay_start_0:
0x88: {  	s0 =	sld [smem:$0x3FD9]  }
0x89: {  	s1 =	sld [smem:$0x3FFE];
	_ =	sdelay $0x3  }
0x8a: {  	s0 =	sadd.s32 s1, s0  }
0x8b: {  	[smem:$0x3FC5] =	sst s0  }
0x8c: {  	_ = 	snop  }
0x8d: {  	s0 =	sld [smem:$0x3FC9]  }
0x8e: {  	s17 =	sld [smem:$0x3FC8]  }
0x8f: {  	s2 =	sld [smem:$0x3FC7]  }
0x90: {  	s3 =	sld [smem:$0x3FD0];
	(tm) =	ssettm $0x1  }
0x91: {  	s4 =	sld [smem:$0x3FFB];
	_ =	sdelay $0x3  }
0x92: {  	_ =	strace s4  }
0x93: {  	s4 =	sld [smem:$0x3FFC];
	_ =	sdelay $0x3  }
0x94: {  	_ =	strace s4  }
0x95: {  	s4 =	sld [smem:$0x3FFD];
	_ =	sdelay $0x3  }
0x96: {  	_ =	strace s4  }
0x97: {  	_ =	strace $0x8FFFFFFF  }
0x98: {  	s18 =	sld [smem:$0x3FDB];
	_ =	sdelay $0x1  }
0x99: {  	s5 =	simm.s32 $_scs_section_size  }
0x9a: {  	s6 =	simm.s32 $_size__tile_overlayer_lowered;
	s7 =	simm.s32 $_tile_overlayer_lowered  }
0x9b: {  	s21 =	simm.s32 $0x1BFF;
	s20 =	sshll.u32 s7, $0x1;
	s4 =	sadd.s32 s5, s18  }
0x9c: {  	s8 =	simm.s32 $0x0;
	s19 =	sshll.u32 s6, $0x1;
	s6 =	sadd.s32 s20, s4  }
0x9d: {  	[timem:s8], [sflag:s21] =	dma.local [hbm:s6], s19  }
0x9e: {  	_ =	swait.ge [sflag:s21], s19  }
0x9f: {  	s5 =	ssub.s32 $0x0, s19;
	[sflag:s21] =	ssyncset.done $0x0  }
0xa0: {  	[sflag:s21] =	ssyncadd.s32 s5;
	_ =	sdelay $0x1  }
0xa1: {  	s22 =	simm.s32 $0x1B8B  }
0xa2: {  	_ =	swait.ge [sflag:s22], $0x1  }
0xa3: {  	[sflag:s22] =	ssyncset.done $0x0  }
0xa4: {  	s23 =	simm.s32 $0x1B8E;
	[sflag:s22] =	ssyncadd.s32 $0xFFFFFFFF  }
0xa5: {  	s24 =	simm.s32 $execute0_lowered;
	[smem:$0x3FD2] =	sst s23  }
0xa6: {  	s5 =	sshll.u32 s24, $0x1;
	_ =	strace $0x80000046;
	[dreg:$0x1] =	wrdreg $0xFFFFFFFF  }
0xa7: {  	s25 =	simm.s32 $_size_execute0_lowered;
	s4 =	sadd.s32 s4, s5;
	[dreg:$0x0] =	wrdreg $0x0  }
0xa8: {  	s5 =	sshll.u32 s25, $0x1;
	[dreg:$0x2] =	wrdreg s4  }
0xa9: {  	[dreg:$0x3] =	wrdreg s5  }
0xaa: {  	[dreg:$0x4] =	wrdreg $0xC0  }
0xab: {  	_ =	task [dreg:s8], $0x5FFFF  }
0xac: {  	[dreg:$0x1] =	wrdreg $0xFFFFFFFF  }
0xad: {  	[dreg:$0x0] =	wrdreg $0x60  }
0xae: {  	[dreg:$0x2] =	wrdreg s0  }
0xaf: {  	[dreg:$0x3] =	wrdreg s17  }
0xb0: {  	[dreg:$0x4] =	wrdreg s2  }
0xb1: {  	[dreg:$0x5] =	wrdreg s3  }
0xb2: {  	[dreg:$0x6] =	wrdreg $0x9  }
0xb3: {  	_ =	task.clear_ibuf [dreg:s8], $0x7FFFF;
	_ =	strace $0x90000046  }
0xb4: {  	s26 =	simm.s32 $0x9;
	_ =	strace $0x80000048  }
0xb5: {  	_ =	swait.ge [sflag:s26], $0x1  }
0xb6: {  	[sflag:s26] =	ssyncadd.s32 $0xFFFFFFFF  }
0xb7: {  	_ =	strace $0x90000048  }
0xb8: {  	_ =	sfence  }
0xb9: {  	s28 =	sld [smem:$0x0];
	_ =	sdelay $0x1  }
0xba: {  	s29 =	srdreg.scid  }
0xbb: {  	s30 =	sshll.u32 s29, $0xD;
	s31 =	sshrl.u32 s29, $0x2  }
0xbc: {  	s1 =	sand.u32 $0x1, s29;
	s2 =	sand.u32 $0x4000, s30;
	s0 =	sadd.s32 s31, s28  }
0xbd: {  	s1 =	sor.u32 s2, s1;
	s0 =	sshll.u32 s0, $0x11  }
0xbe: {  	s0 =	sor.u32 s0, s1  }
0xbf: {  	s0 =	sadd.s32 $0x8F2B, s0  }
0xc0: {  	[sflag:s0] =	ssyncadd.remote.s32 $0x1  }
0xc1: {  	_ =	sfence.sel $0xFFFF  }
0xc2: {  	[dreg:$0x0] =	wrdreg $0xFFFFFFFF;
	(pc) =	sbr.abs _section_cstart, $3  }
0xc3: {  	[dreg:$0x1] =	wrdreg $0xFFFFFFFF  }
0xc4: {  	_ =	task.clear_ibuf [dreg:s8], $0x2FFFF;
	_ =	strace $0x9FFFFFFF  }
0xc5: {  	(tm) =	ssettm $0x7FFFFFFF  }
tec
execute0_lowered:
.L_overlay_start_1:
0x0: {  	(tag) =	ssettag $0x1  }
0x1: {  	s1 =	rddreg [dreg:$0x0]  }
0x2: {  	s2 =	rddreg [dreg:$0x1]  }
0x3: {  	s3 =	rddreg [dreg:$0x2];
	s5 =	stileid.u32  }
0x4: {  	s4 =	rddreg [dreg:$0x3];
	p0 =	sne.s32 s5, $0x0  }
0x5: {  	s0 =	rddreg [dreg:$0x4];
	_ =	strace $0x80000047;
	s5 =	simm.s32 @!p0 $0x0  }
0x6: {  	[tilespmem:s5], [sflag:$0x1] =	stream.linear.gather @!p0 [hbm4b:s1+s5], $0x1, $0x38;
	[tilespmem:$0x200] =	vst v63  }
0x7: {  	s1 =	simm.s32 @!p0 $0x80  }
0x8: {  	[tilespmem:s1], [sflag:$0x1] =	stream.linear.gather @!p0 [hbm4b:s2+s5], $0x33, $0x38;
	[tilespmem:$0x200] =	vst v63  }
0x9: {  	s2 =	simm.s32 @!p0 $0x100  }
0xa: {  	[tilespmem:s2], [sflag:$0x1] =	stream.linear.gather @!p0 [hbm4b:s3+s5], $0x34, $0x38;
	[tilespmem:$0x200] =	vst v63  }
0xb: {  	s3 =	simm.s32 @!p0 $0x1  }
0xc: {  	_ =	swait.ge @!p0 [sflag:s3], $0x1  }
0xd: {  	[sflag:s3] =	ssyncset.done @!p0 $0x0  }
0xe: {  	[sflag:s3] =	ssyncadd.s32 @!p0 $0xFFFFFFFF  }
0xf: {  	_ =	swait.ge @!p0 [sflag:s3], $0x33  }
0x10: {  	[sflag:s3] =	ssyncset.done @!p0 $0x0  }
0x11: {  	[sflag:s3] =	ssyncadd.s32 @!p0 $0xFFFFFFCD  }
0x12: {  	v0 =	vld @!p0 [tilespmem:$0xB0]  }
0x13: {  	v1 =	vld @!p0 [tilespmem:$0x80]  }
0x14: {  	v2 =	vld @!p0 [tilespmem:$0x90]  }
0x15: {  	v3 =	vld.msk @!p0 [tilespmem:$0x0 ss:$0x0], $0xffff  }
0x16: {  	v4 =	vld @!p0 [tilespmem:$0xA0];
	_ =	sdelay $0x2  }
0x17: {  	vm0 =	vmmov @!p0 $0x7  }
0x18: {  	v0 =	vnsel @!p0 vm0, $0x7F800000, v0;
	vm0 =	vlt.f32 @!p0 v1, v3;
	vm1 =	vlt.f32 @!p0 v2, v3  }
0x19: {  	v5 =	vmpcnt.ones.xlane @!p0 vm0;
	v6 =	vmpcnt.ones.xlane @!p0 vm1;
	vm0 =	vlt.f32 @!p0 v4, v3  }
0x1a: {  	vm1 =	vlt.f32 @!p0 v0, v3;
	v3 =	vmpcnt.ones.xlane @!p0 vm0  }
0x1b: {  	v5 =	vadd.s32 @!p0 v5, v6;
	v6 =	vmpcnt.ones.xlane @!p0 vm1  }
0x1c: {  	v3 =	vadd.s32 @!p0 v3, v5  }
0x1d: {  	v3 =	vadd.s32 @!p0 v6, v3  }
0x1e: {  	vm0 =	vlt.s32 @!p0 v3, $0x32  }
0x1f: {  	v5 =	vnsel @!p0 vm0, $0x32, v3  }
0x20: {  	_ =	swait.ge @!p0 [sflag:s3], $0x34  }
0x21: {  	[sflag:s3] =	ssyncset.done @!p0 $0x0  }
0x22: {  	[sflag:s3] =	ssyncadd.s32 @!p0 $0xFFFFFFCC  }
0x23: {  	v3 =	vld.idx.msk @!p0 [tilespmem:v3+s2+$0x0], $0xffff  }
0x24: {  	v5 =	vld.idx.msk @!p0 [tilespmem:v5+s1+$0x0], $0xffff;
	_ =	sdelay $0x4  }
0x25: {  	v3 =	vadd.f32 @!p0 v3, v5;
	_ =	sdelay $0x1  }
0x26: {  	vm0 =	vlt.f32 @!p0 v1, v3;
	vm1 =	vlt.f32 @!p0 v2, v3  }
0x27: {  	v1 =	vmpcnt.ones.xlane @!p0 vm0;
	v2 =	vmpcnt.ones.xlane @!p0 vm1;
	vm0 =	vlt.f32 @!p0 v4, v3  }
0x28: {  	v4 =	vmpcnt.ones.xlane @!p0 vm0;
	vm0 =	vlt.f32 @!p0 v0, v3  }
0x29: {  	v0 =	vadd.s32 @!p0 v1, v2;
	v1 =	vmpcnt.ones.xlane @!p0 vm0  }
0x2a: {  	v0 =	vadd.s32 @!p0 v4, v0  }
0x2b: {  	v0 =	vadd.s32 @!p0 v1, v0  }
0x2c: {  	vm0 =	vlt.s32 @!p0 v0, $0x32  }
0x2d: {  	v0 =	vnsel @!p0 vm0, $0x32, v0;
	_ =	sdelay $0x4  }
0x2e: {  	v0 =	vld.idx.msk @!p0 [tilespmem:v0+s1+$0x0], $0xffff;
	_ =	sdelay $0x4  }
0x2f: {  	s1 =	simm.s32 @!p0 $0x180;
	[tilespmem:$0x180] =	vst @!p0 v0  }
0x30: {  	[hbm4b:s4+s5] =	stream.linear.scatter @!p0 [tilespmem:s1], [sflag:$0x2], $0x1, $0x38;
	[tilespmem:$0x200] =	vst v63  }
0x31: {  	s1 =	simm.s32 @!p0 $0x2  }
0x32: {  	_ =	swait.ge @!p0 [sflag:s1], $0x1  }
0x33: {  	[sflag:s1] =	ssyncset.done @!p0 $0x0  }
0x34: {  	[sflag:s1] =	ssyncadd.s32 @!p0 $0xFFFFFFFF  }
0x35: {  	_ =	sfence.sel $0x180000  }
0x36: {  	[bflag:$0x0] =	sbarrier.arrive $0xFFFF  }
0x37: {  	_ =	strace $0x90000047  }
0x38: {  	s0 =	sadd.s32 @!p0 $0x100000, s0;
	[bflag:$0x2] =	sbarrier.arrive $0xFFFF  }
0x39: {  	[sflag:s0] =	ssyncadd.tile.s32 @!p0 $0x1;
	_ =	shalt  }
.Lfunc_end2:
_tile_overlayer_lowered:
.L_overlay_start_2:
0x3a: {  	(tag) =	ssettag $0x2  }
0x3b: {  	s0 =	rddreg [dreg:$0x0];
	s2 =	stileid.u32  }
0x3c: {  	s1 =	rddreg [dreg:$0x1];
	p0 =	sne.s32 s2, $0x0  }
0x3d: {  	s3 =	rddreg [dreg:$0x2];
	[bflag:$0x3] =	sbarrier.arrive $0xFFFF;
	s2 =	simm.s32 @!p0 $0x1C02  }
0x3e: {  	[timem:s3], [sflag:s2] =	dma.local @!p0 [hbm:s0], s1  }
0x3f: {  	s0 =	simm.s32 @!p0 $0x2  }
0x40: {  	_ =	swait.ge @!p0 [sflag:s0], s1  }
0x41: {  	s1 =	ssub.s32 @!p0 $0x0, s1;
	[sflag:s0] =	ssyncset.done @!p0 $0x0  }
0x42: {  	[sflag:s0] =	ssyncadd.s32 @!p0 s1  }
0x43: {  	[bflag:$0x3] =	sbarrier.arrive $0xFFFF  }
0x44: {  	_ =	shalt  }

</sc_bundles>
